<compile_context>
chip_gen: v7x
topology: tpu7x:2x2x1
jax: 0.10.2.dev20260603
libtpu: 0.0.44.dev20260713+nightly
codegen_flags: <defaults>
</compile_context>

<pallas_src>
import jax
import jax.numpy as jnp
from jax.experimental import pallas as pl
from jax.experimental.pallas import tpu as pltpu

_BS = 16
_C = 32
_BC = _BS * _C
_G = 16
_EPS = 1e-3


def _conv_body(sidx_ref, *refs):
    x_refs = refs[:_G]
    a_ref, t_ref, o_ref = refs[_G:]
    del sidx_ref
    pall = jnp.concatenate([r[...] for r in x_refs], axis=0)
    z = jnp.zeros((1, _BC), pall.dtype)
    up = jnp.concatenate([z, pall[:-1, :]], axis=0)
    dn = jnp.concatenate([pall[1:, :], z], axis=0)
    r = jax.lax.broadcasted_iota(jnp.int32, (_G * _BS, 1), 0) % _BS
    up = jnp.where(r != 0, up, 0.0)
    dn = jnp.where(r != _BS - 1, dn, 0.0)
    pc = jnp.concatenate([up, pall, dn], axis=1)
    q = jnp.dot(pc, a_ref[...], preferred_element_type=jnp.float32)
    q = jnp.maximum(q + t_ref[...], 0.0)
    o_ref[...] = q.reshape(_G, _BS, _BC)


def _band_body(starts_ref, bxs_ref, x_ref, d_ref, o_ref):
    o_ref[...] = x_ref[...]
    b = pl.program_id(0)

    def body(k, carry):
        c0 = pl.multiple_of(bxs_ref[k] * _BC, _BC)
        o_ref[:, pl.ds(c0, _BC)] = d_ref[k]
        return carry

    jax.lax.fori_loop(starts_ref[b], starts_ref[b + 1], body, 0)


def kernel(x, active_block_indices, bin_counts, W, b, gamma, beta,
           running_mean, running_var):
    del bin_counts
    N, H, Wd, C = x.shape
    gh = H // _BS
    gw = Wd // _BS
    nact = active_block_indices.shape[0]

    x2d = x.reshape(H, Wd * C)

    by = (active_block_indices[:, 1] % gh).astype(jnp.int32)
    bx = (active_block_indices[:, 2] % gw).astype(jnp.int32)
    order = jnp.argsort(by)
    by_s = by[order]
    bx_s = bx[order]
    sidx = jnp.stack([by_s, bx_s])
    starts = jnp.searchsorted(by_s, jnp.arange(gh + 1)).astype(jnp.int32)

    s = gamma * jax.lax.rsqrt(running_var + _EPS)
    t = (b - running_mean) * s + beta
    wts = jnp.transpose(W, (2, 3, 1, 0)) * s

    a_rows = []
    for dy in range(3):
        a = jnp.zeros((_BC, _BC), jnp.float32)
        for dx in range(3):
            a = a + jnp.kron(jnp.eye(_BS, k=1 - dx, dtype=jnp.float32),
                             wts[dy, dx])
        a_rows.append(a)
    a_all = jnp.concatenate(a_rows, axis=0)
    t_row = jnp.tile(t, _BS).reshape(1, _BC)

    conv_spec = pltpu.PrefetchScalarGridSpec(
        num_scalar_prefetch=1,
        grid=(nact // _G,),
        in_specs=[
            *[pl.BlockSpec((_BS, _BC),
                           lambda g, s, j=j: (s[0, _G * g + j], s[1, _G * g + j]))
              for j in range(_G)],
            pl.BlockSpec((3 * _BC, _BC), lambda g, s: (0, 0)),
            pl.BlockSpec((1, _BC), lambda g, s: (0, 0)),
        ],
        out_specs=pl.BlockSpec((_G, _BS, _BC), lambda g, s: (g, 0, 0)),
    )
    dense = pl.pallas_call(
        _conv_body,
        grid_spec=conv_spec,
        out_shape=jax.ShapeDtypeStruct((nact, _BS, _BC), jnp.float32),
    )(sidx, *([x2d] * _G), a_all, t_row)

    band_spec = pltpu.PrefetchScalarGridSpec(
        num_scalar_prefetch=2,
        grid=(gh,),
        in_specs=[
            pl.BlockSpec((_BS, Wd * C), lambda i, st, bxs: (i, 0)),
            pl.BlockSpec((nact, _BS, _BC), lambda i, st, bxs: (0, 0, 0)),
        ],
        out_specs=pl.BlockSpec((_BS, Wd * C), lambda i, st, bxs: (i, 0)),
    )
    y2d = pl.pallas_call(
        _band_body,
        grid_spec=band_spec,
        out_shape=jax.ShapeDtypeStruct((H, Wd * C), jnp.float32),
    )(starts, bx_s, x2d, dense)

    return y2d.reshape(N, H, Wd, C)

# --- scband reference (transcript-rebuilt; emitter-appended) ---
"""Pipeline reference for scband-sparse-block-conv2d-bn-re-lu-14671608283677 (READ-ONLY COPY).

The authoritative reference and input builder live on the scoring server;
editing this copy changes nothing except your own understanding.
"""

import jax, jax.numpy as jnp
import numpy as np

BSIZE = 16
NACT = 400
C_IN = 32
C_OUT = 32
EPS = 1e-3


def setup_inputs(seed: int = 0) -> dict:
    key = jax.random.key(seed)
    ks = jax.random.split(key, 8)
    x = jax.random.normal(ks[0], (1, 1024, 1024, C_IN), dtype=jnp.float32)
    active_block_indices = jax.random.randint(ks[1], (NACT, 3), 0, 64, dtype=jnp.int32)
    bin_counts = jnp.full((1,), NACT, dtype=jnp.int32)
    W = jax.random.normal(ks[2], (C_OUT, C_IN, 3, 3), dtype=jnp.float32) * np.float32(1.0 / np.sqrt(C_IN * 9))
    b = jax.random.normal(ks[3], (C_OUT,), dtype=jnp.float32) * 0.01
    gamma = jnp.ones((C_OUT,), dtype=jnp.float32)
    beta = jnp.zeros((C_OUT,), dtype=jnp.float32)
    running_mean = jax.random.normal(ks[4], (C_OUT,), dtype=jnp.float32) * 0.1
    running_var = jnp.abs(jax.random.normal(ks[5], (C_OUT,), dtype=jnp.float32)) * 0.5 + 0.5
    return {
        'x': x,
        'active_block_indices': active_block_indices,
        'bin_counts': bin_counts,
        'W': W,
        'b': b,
        'gamma': gamma,
        'beta': beta,
        'running_mean': running_mean,
        'running_var': running_var,
    }


def reference(x, active_block_indices, bin_counts, W, b, gamma, beta, running_mean, running_var):
    # block params: bsize=(16,16), bstrides=(16,16), boffset=(0,0), bsize_out=(16,16), stride=1
    N, H, Wd, C = x.shape
    gh = H // BSIZE
    gw = Wd // BSIZE
    n = active_block_indices[:, 0] % N
    by = active_block_indices[:, 1] % gh
    bx = active_block_indices[:, 2] % gw
    ar = jnp.arange(BSIZE)
    ys = by[:, None] * BSIZE + ar[None, :]   # [NACT, 16]
    xs = bx[:, None] * BSIZE + ar[None, :]   # [NACT, 16]
    # sparse_gather (transpose=True -> NHWC canvas, NCHW blocks)
    p = x[n[:, None, None], ys[:, :, None], xs[:, None, :], :]      # [NACT, 16, 16, C]
    p = jnp.transpose(p, (0, 3, 1, 2))                              # [NACT, C, 16, 16]
    # Conv2d(3x3, stride 1, padding 1) + bias
    q = jax.lax.conv_general_dilated(
        p, W, window_strides=(1, 1), padding=[(1, 1), (1, 1)],
        dimension_numbers=('NCHW', 'OIHW', 'NCHW'))
    q = q + b[None, :, None, None]
    # BatchNorm2d (eval-mode with running stats, eps=0.001)
    inv = jax.lax.rsqrt(running_var + EPS)
    q = (q - running_mean[None, :, None, None]) * (inv * gamma)[None, :, None, None] + beta[None, :, None, None]
    # ReLU
    q = jnp.maximum(q, 0.0)
    # sparse_scatter (add=False -> overwrite, transpose back to NHWC)
    qn = jnp.transpose(q, (0, 2, 3, 1))                             # [NACT, 16, 16, C]
    y = x.at[n[:, None, None], ys[:, :, None], xs[:, None, :], :].set(qn)
    return y

if __name__ == "__main__":
    import jax
    _d = setup_inputs()
    print(jax.jit(kernel)(*tuple(_d.values())))

</pallas_src>

<mosaic_0001>
module attributes {stable_mosaic.version = 14 : i64} {
  func.func @_conv_body(%arg0: i32, %arg1: memref<2x400xi32, #tpu.memory_space<smem>>, %arg2: memref<16x512xf32, #tpu.memory_space<vmem>>, %arg3: memref<16x512xf32, #tpu.memory_space<vmem>>, %arg4: memref<16x512xf32, #tpu.memory_space<vmem>>, %arg5: memref<16x512xf32, #tpu.memory_space<vmem>>, %arg6: memref<16x512xf32, #tpu.memory_space<vmem>>, %arg7: memref<16x512xf32, #tpu.memory_space<vmem>>, %arg8: memref<16x512xf32, #tpu.memory_space<vmem>>, %arg9: memref<16x512xf32, #tpu.memory_space<vmem>>, %arg10: memref<16x512xf32, #tpu.memory_space<vmem>>, %arg11: memref<16x512xf32, #tpu.memory_space<vmem>>, %arg12: memref<16x512xf32, #tpu.memory_space<vmem>>, %arg13: memref<16x512xf32, #tpu.memory_space<vmem>>, %arg14: memref<16x512xf32, #tpu.memory_space<vmem>>, %arg15: memref<16x512xf32, #tpu.memory_space<vmem>>, %arg16: memref<16x512xf32, #tpu.memory_space<vmem>>, %arg17: memref<16x512xf32, #tpu.memory_space<vmem>>, %arg18: memref<1536x512xf32, #tpu.memory_space<vmem>>, %arg19: memref<1x512xf32, #tpu.memory_space<vmem>>, %arg20: memref<16x16x512xf32, #tpu.memory_space<vmem>>) attributes {dimension_semantics = [#tpu.dimension_semantics<arbitrary>], iteration_bounds = array<i64: 25>, scalar_prefetch = 1 : i64, scratch_operands = 0 : i64, tpu.core_type = #tpu.core_type<tc>, window_params = [{transform_indices = @transform_0, window_bounds = array<i64: 16, 512>}, {transform_indices = @transform_1, window_bounds = array<i64: 16, 512>}, {transform_indices = @transform_2, window_bounds = array<i64: 16, 512>}, {transform_indices = @transform_3, window_bounds = array<i64: 16, 512>}, {transform_indices = @transform_4, window_bounds = array<i64: 16, 512>}, {transform_indices = @transform_5, window_bounds = array<i64: 16, 512>}, {transform_indices = @transform_6, window_bounds = array<i64: 16, 512>}, {transform_indices = @transform_7, window_bounds = array<i64: 16, 512>}, {transform_indices = @transform_8, window_bounds = array<i64: 16, 512>}, {transform_indices = @transform_9, window_bounds = array<i64: 16, 512>}, {transform_indices = @transform_10, window_bounds = array<i64: 16, 512>}, {transform_indices = @transform_11, window_bounds = array<i64: 16, 512>}, {transform_indices = @transform_12, window_bounds = array<i64: 16, 512>}, {transform_indices = @transform_13, window_bounds = array<i64: 16, 512>}, {transform_indices = @transform_14, window_bounds = array<i64: 16, 512>}, {transform_indices = @transform_15, window_bounds = array<i64: 16, 512>}, {pipeline_mode = #tpu.pipeline_mode<synchronous>, transform_indices = @transform_16, window_bounds = array<i64: 1536, 512>}, {pipeline_mode = #tpu.pipeline_mode<synchronous>, transform_indices = @transform_17, window_bounds = array<i64: 1, 512>}, {transform_indices = @transform_18, window_bounds = array<i64: 16, 16, 512>}]} {
    %get3A = arith.constant 0 : index
    %get3A_0 = arith.constant 0 : index
    %get3A_1 = vector.load %arg2[%get3A, %get3A_0] : memref<16x512xf32, #tpu.memory_space<vmem>>, vector<16x512xf32>
    %get3A_2 = arith.constant 0 : index
    %get3A_3 = arith.constant 0 : index
    %get3A_4 = vector.load %arg3[%get3A_2, %get3A_3] : memref<16x512xf32, #tpu.memory_space<vmem>>, vector<16x512xf32>
    %get3A_5 = arith.constant 0 : index
    %get3A_6 = arith.constant 0 : index
    %get3A_7 = vector.load %arg4[%get3A_5, %get3A_6] : memref<16x512xf32, #tpu.memory_space<vmem>>, vector<16x512xf32>
    %get3A_8 = arith.constant 0 : index
    %get3A_9 = arith.constant 0 : index
    %get3A_10 = vector.load %arg5[%get3A_8, %get3A_9] : memref<16x512xf32, #tpu.memory_space<vmem>>, vector<16x512xf32>
    %get3A_11 = arith.constant 0 : index
    %get3A_12 = arith.constant 0 : index
    %get3A_13 = vector.load %arg6[%get3A_11, %get3A_12] : memref<16x512xf32, #tpu.memory_space<vmem>>, vector<16x512xf32>
    %get3A_14 = arith.constant 0 : index
    %get3A_15 = arith.constant 0 : index
    %get3A_16 = vector.load %arg7[%get3A_14, %get3A_15] : memref<16x512xf32, #tpu.memory_space<vmem>>, vector<16x512xf32>
    %get3A_17 = arith.constant 0 : index
    %get3A_18 = arith.constant 0 : index
    %get3A_19 = vector.load %arg8[%get3A_17, %get3A_18] : memref<16x512xf32, #tpu.memory_space<vmem>>, vector<16x512xf32>
    %get3A_20 = arith.constant 0 : index
    %get3A_21 = arith.constant 0 : index
    %get3A_22 = vector.load %arg9[%get3A_20, %get3A_21] : memref<16x512xf32, #tpu.memory_space<vmem>>, vector<16x512xf32>
    %get3A_23 = arith.constant 0 : index
    %get3A_24 = arith.constant 0 : index
    %get3A_25 = vector.load %arg10[%get3A_23, %get3A_24] : memref<16x512xf32, #tpu.memory_space<vmem>>, vector<16x512xf32>
    %get3A_26 = arith.constant 0 : index
    %get3A_27 = arith.constant 0 : index
    %get3A_28 = vector.load %arg11[%get3A_26, %get3A_27] : memref<16x512xf32, #tpu.memory_space<vmem>>, vector<16x512xf32>
    %get3A_29 = arith.constant 0 : index
    %get3A_30 = arith.constant 0 : index
    %get3A_31 = vector.load %arg12[%get3A_29, %get3A_30] : memref<16x512xf32, #tpu.memory_space<vmem>>, vector<16x512xf32>
    %get3A_32 = arith.constant 0 : index
    %get3A_33 = arith.constant 0 : index
    %get3A_34 = vector.load %arg13[%get3A_32, %get3A_33] : memref<16x512xf32, #tpu.memory_space<vmem>>, vector<16x512xf32>
    %get3A_35 = arith.constant 0 : index
    %get3A_36 = arith.constant 0 : index
    %get3A_37 = vector.load %arg14[%get3A_35, %get3A_36] : memref<16x512xf32, #tpu.memory_space<vmem>>, vector<16x512xf32>
    %get3A_38 = arith.constant 0 : index
    %get3A_39 = arith.constant 0 : index
    %get3A_40 = vector.load %arg15[%get3A_38, %get3A_39] : memref<16x512xf32, #tpu.memory_space<vmem>>, vector<16x512xf32>
    %get3A_41 = arith.constant 0 : index
    %get3A_42 = arith.constant 0 : index
    %get3A_43 = vector.load %arg16[%get3A_41, %get3A_42] : memref<16x512xf32, #tpu.memory_space<vmem>>, vector<16x512xf32>
    %get3A_44 = arith.constant 0 : index
    %get3A_45 = arith.constant 0 : index
    %get3A_46 = vector.load %arg17[%get3A_44, %get3A_45] : memref<16x512xf32, #tpu.memory_space<vmem>>, vector<16x512xf32>
    %concatenate3A = tpu.concatenate %get3A_1, %get3A_4, %get3A_7, %get3A_10, %get3A_13, %get3A_16, %get3A_19, %get3A_22, %get3A_25, %get3A_28, %get3A_31, %get3A_34, %get3A_37, %get3A_40, %get3A_43, %get3A_46 in 0 : vector<16x512xf32>, vector<16x512xf32>, vector<16x512xf32>, vector<16x512xf32>, vector<16x512xf32>, vector<16x512xf32>, vector<16x512xf32>, vector<16x512xf32>, vector<16x512xf32>, vector<16x512xf32>, vector<16x512xf32>, vector<16x512xf32>, vector<16x512xf32>, vector<16x512xf32>, vector<16x512xf32>, vector<16x512xf32> -> vector<256x512xf32>
    %broadcast_in_dim3A = arith.constant 0.000000e+00 : f32
    %broadcast_in_dim3A_47 = vector.broadcast %broadcast_in_dim3A : f32 to vector<1x512xf32>
    %slice3A = vector.extract_strided_slice %concatenate3A {offsets = [0, 0], sizes = [255, 512], strides = [1, 1]} : vector<256x512xf32> to vector<255x512xf32>
    %concatenate3A_48 = tpu.concatenate %broadcast_in_dim3A_47, %slice3A in 0 : vector<1x512xf32>, vector<255x512xf32> -> vector<256x512xf32>
    %slice3A_49 = vector.extract_strided_slice %concatenate3A {offsets = [1, 0], sizes = [255, 512], strides = [1, 1]} : vector<256x512xf32> to vector<255x512xf32>
    %concatenate3A_50 = tpu.concatenate %slice3A_49, %broadcast_in_dim3A_47 in 0 : vector<255x512xf32>, vector<1x512xf32> -> vector<256x512xf32>
    %iota3A = tpu.iota {dimensions = array<i32: 0>} : vector<256x1xi32>
    %jit3A = arith.constant 16 : i32
    %eq3A = arith.constant 0 : i32
    %eq3A_51 = arith.cmpi eq, %jit3A, %eq3A : i32
    %jit3A_52 = arith.constant 1 : i32
    %select_n3A = arith.select %eq3A_51, %jit3A_52, %jit3A : i32
    %rem3A = vector.broadcast %select_n3A : i32 to vector<256x1xi32>
    %rem3A_53 = arith.remsi %iota3A, %rem3A : vector<256x1xi32>
    %ne3A = arith.constant 0 : i32
    %ne3A_54 = vector.broadcast %ne3A : i32 to vector<256x1xi32>
    %ne3A_55 = arith.cmpi ne, %rem3A_53, %ne3A_54 : vector<256x1xi32>
    %lt3A = arith.constant 0 : i32
    %lt3A_56 = vector.broadcast %lt3A : i32 to vector<256x1xi32>
    %lt3A_57 = arith.cmpi slt, %rem3A_53, %lt3A_56 : vector<256x1xi32>
    %lt3A_58 = arith.constant 0 : i32
    %lt3A_59 = arith.cmpi slt, %select_n3A, %lt3A_58 : i32
    %ne3A_60 = vector.broadcast %lt3A_59 : i1 to vector<256x1xi1>
    %ne3A_61 = vector.broadcast %ne3A_60 : vector<256x1xi1> to vector<256x1xi1>
    %ne3A_62 = arith.xori %lt3A_57, %ne3A_61 : vector<256x1xi1>
    %and3A = arith.andi %ne3A_62, %ne3A_55 : vector<256x1xi1>
    %add3A = vector.broadcast %select_n3A : i32 to vector<256x1xi32>
    %add3A_63 = arith.addi %rem3A_53, %add3A : vector<256x1xi32>
    %select_n3A_64 = arith.select %and3A, %add3A_63, %rem3A_53 : vector<256x1xi1>, vector<256x1xi32>
    %ne3A_65 = arith.constant 0 : i32
    %ne3A_66 = vector.broadcast %ne3A_65 : i32 to vector<256x1xi32>
    %ne3A_67 = arith.cmpi ne, %select_n3A_64, %ne3A_66 : vector<256x1xi32>
    %jit3A_68 = arith.constant 0.000000e+00 : f32
    %broadcast_in_dim3A_69 = vector.shape_cast %ne3A_67 : vector<256x1xi1> to vector<256x1xi1>
    %broadcast_in_dim3A_70 = vector.broadcast %broadcast_in_dim3A_69 : vector<256x1xi1> to vector<256x512xi1>
    %broadcast_in_dim3A_71 = vector.broadcast %jit3A_68 : f32 to vector<256x512xf32>
    %select_n3A_72 = arith.select %broadcast_in_dim3A_70, %concatenate3A_48, %broadcast_in_dim3A_71 : vector<256x512xi1>, vector<256x512xf32>
    %ne3A_73 = arith.constant 15 : i32
    %ne3A_74 = vector.broadcast %ne3A_73 : i32 to vector<256x1xi32>
    %ne3A_75 = arith.cmpi ne, %select_n3A_64, %ne3A_74 : vector<256x1xi32>
    %jit3A_76 = arith.constant 0.000000e+00 : f32
    %broadcast_in_dim3A_77 = vector.shape_cast %ne3A_75 : vector<256x1xi1> to vector<256x1xi1>
    %broadcast_in_dim3A_78 = vector.broadcast %broadcast_in_dim3A_77 : vector<256x1xi1> to vector<256x512xi1>
    %broadcast_in_dim3A_79 = vector.broadcast %jit3A_76 : f32 to vector<256x512xf32>
    %select_n3A_80 = arith.select %broadcast_in_dim3A_78, %concatenate3A_50, %broadcast_in_dim3A_79 : vector<256x512xi1>, vector<256x512xf32>
    %concatenate3A_81 = tpu.concatenate %select_n3A_72, %concatenate3A, %select_n3A_80 in 1 : vector<256x512xf32>, vector<256x512xf32>, vector<256x512xf32> -> vector<256x1536xf32>
    %get3A_82 = arith.constant 0 : index
    %get3A_83 = arith.constant 0 : index
    %get3A_84 = vector.load %arg18[%get3A_82, %get3A_83] : memref<1536x512xf32, #tpu.memory_space<vmem>>, vector<1536x512xf32>
    %dot_general3A = arith.constant dense<0.000000e+00> : vector<256x512xf32>
    %dot_general3A_85 = tpu.matmul %concatenate3A_81, %get3A_84, %dot_general3A {dimension_numbers = #tpu.dot_dimension_numbers<[1], [0], [0], [1], [0, 0, 1, 1], [], []>, transpose_lhs_hint = false} : vector<256x1536xf32>, vector<1536x512xf32>, vector<256x512xf32> -> vector<256x512xf32>
    %get3A_86 = arith.constant 0 : index
    %get3A_87 = arith.constant 0 : index
    %get3A_88 = vector.load %arg19[%get3A_86, %get3A_87] : memref<1x512xf32, #tpu.memory_space<vmem>>, vector<1x512xf32>
    %add3A_89 = vector.broadcast %get3A_88 : vector<1x512xf32> to vector<256x512xf32>
    %add3A_90 = arith.addf %dot_general3A_85, %add3A_89 : vector<256x512xf32>
    %max3A = arith.constant 0.000000e+00 : f32
    %max3A_91 = vector.broadcast %max3A : f32 to vector<256x512xf32>
    %max3A_92 = arith.maximumf %add3A_90, %max3A_91 : vector<256x512xf32>
    %reshape3A = vector.shape_cast %max3A_92 : vector<256x512xf32> to vector<16x16x512xf32>
    %swap3A = arith.constant 0 : index
    %swap3A_93 = arith.constant 0 : index
    %swap3A_94 = arith.constant 0 : index
    %swap3A_95 = vector.load %arg20[%swap3A, %swap3A_93, %swap3A_94] : memref<16x16x512xf32, #tpu.memory_space<vmem>>, vector<16x16x512xf32>
    tpu.vector_store %arg20[%swap3A, %swap3A_93, %swap3A_94], %reshape3A {strides = array<i32>} : memref<16x16x512xf32, #tpu.memory_space<vmem>>, vector<16x16x512xf32>,
    return
  }
  func.func @transform_0(%arg0: i32, %arg1: memref<2x400xi32, #tpu.memory_space<smem>>) -> (i32, i32) {
    %mul3A = arith.constant 16 : i32
    %mul3A_0 = arith.muli %mul3A, %arg0 : i32
    %add3A = arith.constant 0 : i32
    %add3A_1 = arith.addi %mul3A_0, %add3A : i32
    %get3A = arith.constant 0 : index
    %get3A_2 = arith.index_cast %add3A_1 : i32 to index
    %get3A_3 = memref.load %arg1[%get3A, %get3A_2] : memref<2x400xi32, #tpu.memory_space<smem>>
    %mul3A_4 = arith.constant 16 : i32
    %mul3A_5 = arith.muli %mul3A_4, %arg0 : i32
    %add3A_6 = arith.constant 0 : i32
    %add3A_7 = arith.addi %mul3A_5, %add3A_6 : i32
    %get3A_8 = arith.constant 1 : index
    %get3A_9 = arith.index_cast %add3A_7 : i32 to index
    %get3A_10 = memref.load %arg1[%get3A_8, %get3A_9] : memref<2x400xi32, #tpu.memory_space<smem>>
    %c0_i32 = arith.constant 0 : i32
    return %get3A_3, %get3A_10 : i32, i32
  }
  func.func @transform_1(%arg0: i32, %arg1: memref<2x400xi32, #tpu.memory_space<smem>>) -> (i32, i32) {
    %mul3A = arith.constant 16 : i32
    %mul3A_0 = arith.muli %mul3A, %arg0 : i32
    %add3A = arith.constant 1 : i32
    %add3A_1 = arith.addi %mul3A_0, %add3A : i32
    %get3A = arith.constant 0 : index
    %get3A_2 = arith.index_cast %add3A_1 : i32 to index
    %get3A_3 = memref.load %arg1[%get3A, %get3A_2] : memref<2x400xi32, #tpu.memory_space<smem>>
    %mul3A_4 = arith.constant 16 : i32
    %mul3A_5 = arith.muli %mul3A_4, %arg0 : i32
    %add3A_6 = arith.constant 1 : i32
    %add3A_7 = arith.addi %mul3A_5, %add3A_6 : i32
    %get3A_8 = arith.constant 1 : index
    %get3A_9 = arith.index_cast %add3A_7 : i32 to index
    %get3A_10 = memref.load %arg1[%get3A_8, %get3A_9] : memref<2x400xi32, #tpu.memory_space<smem>>
    %c0_i32 = arith.constant 0 : i32
    return %get3A_3, %get3A_10 : i32, i32
  }
  func.func @transform_2(%arg0: i32, %arg1: memref<2x400xi32, #tpu.memory_space<smem>>) -> (i32, i32) {
    %mul3A = arith.constant 16 : i32
    %mul3A_0 = arith.muli %mul3A, %arg0 : i32
    %add3A = arith.constant 2 : i32
    %add3A_1 = arith.addi %mul3A_0, %add3A : i32
    %get3A = arith.constant 0 : index
    %get3A_2 = arith.index_cast %add3A_1 : i32 to index
    %get3A_3 = memref.load %arg1[%get3A, %get3A_2] : memref<2x400xi32, #tpu.memory_space<smem>>
    %mul3A_4 = arith.constant 16 : i32
    %mul3A_5 = arith.muli %mul3A_4, %arg0 : i32
    %add3A_6 = arith.constant 2 : i32
    %add3A_7 = arith.addi %mul3A_5, %add3A_6 : i32
    %get3A_8 = arith.constant 1 : index
    %get3A_9 = arith.index_cast %add3A_7 : i32 to index
    %get3A_10 = memref.load %arg1[%get3A_8, %get3A_9] : memref<2x400xi32, #tpu.memory_space<smem>>
    %c0_i32 = arith.constant 0 : i32
    return %get3A_3, %get3A_10 : i32, i32
  }
  func.func @transform_3(%arg0: i32, %arg1: memref<2x400xi32, #tpu.memory_space<smem>>) -> (i32, i32) {
    %mul3A = arith.constant 16 : i32
    %mul3A_0 = arith.muli %mul3A, %arg0 : i32
    %add3A = arith.constant 3 : i32
    %add3A_1 = arith.addi %mul3A_0, %add3A : i32
    %get3A = arith.constant 0 : index
    %get3A_2 = arith.index_cast %add3A_1 : i32 to index
    %get3A_3 = memref.load %arg1[%get3A, %get3A_2] : memref<2x400xi32, #tpu.memory_space<smem>>
    %mul3A_4 = arith.constant 16 : i32
    %mul3A_5 = arith.muli %mul3A_4, %arg0 : i32
    %add3A_6 = arith.constant 3 : i32
    %add3A_7 = arith.addi %mul3A_5, %add3A_6 : i32
    %get3A_8 = arith.constant 1 : index
    %get3A_9 = arith.index_cast %add3A_7 : i32 to index
    %get3A_10 = memref.load %arg1[%get3A_8, %get3A_9] : memref<2x400xi32, #tpu.memory_space<smem>>
    %c0_i32 = arith.constant 0 : i32
    return %get3A_3, %get3A_10 : i32, i32
  }
  func.func @transform_4(%arg0: i32, %arg1: memref<2x400xi32, #tpu.memory_space<smem>>) -> (i32, i32) {
    %mul3A = arith.constant 16 : i32
    %mul3A_0 = arith.muli %mul3A, %arg0 : i32
    %add3A = arith.constant 4 : i32
    %add3A_1 = arith.addi %mul3A_0, %add3A : i32
    %get3A = arith.constant 0 : index
    %get3A_2 = arith.index_cast %add3A_1 : i32 to index
    %get3A_3 = memref.load %arg1[%get3A, %get3A_2] : memref<2x400xi32, #tpu.memory_space<smem>>
    %mul3A_4 = arith.constant 16 : i32
    %mul3A_5 = arith.muli %mul3A_4, %arg0 : i32
    %add3A_6 = arith.constant 4 : i32
    %add3A_7 = arith.addi %mul3A_5, %add3A_6 : i32
    %get3A_8 = arith.constant 1 : index
    %get3A_9 = arith.index_cast %add3A_7 : i32 to index
    %get3A_10 = memref.load %arg1[%get3A_8, %get3A_9] : memref<2x400xi32, #tpu.memory_space<smem>>
    %c0_i32 = arith.constant 0 : i32
    return %get3A_3, %get3A_10 : i32, i32
  }
  func.func @transform_5(%arg0: i32, %arg1: memref<2x400xi32, #tpu.memory_space<smem>>) -> (i32, i32) {
    %mul3A = arith.constant 16 : i32
    %mul3A_0 = arith.muli %mul3A, %arg0 : i32
    %add3A = arith.constant 5 : i32
    %add3A_1 = arith.addi %mul3A_0, %add3A : i32
    %get3A = arith.constant 0 : index
    %get3A_2 = arith.index_cast %add3A_1 : i32 to index
    %get3A_3 = memref.load %arg1[%get3A, %get3A_2] : memref<2x400xi32, #tpu.memory_space<smem>>
    %mul3A_4 = arith.constant 16 : i32
    %mul3A_5 = arith.muli %mul3A_4, %arg0 : i32
    %add3A_6 = arith.constant 5 : i32
    %add3A_7 = arith.addi %mul3A_5, %add3A_6 : i32
    %get3A_8 = arith.constant 1 : index
    %get3A_9 = arith.index_cast %add3A_7 : i32 to index
    %get3A_10 = memref.load %arg1[%get3A_8, %get3A_9] : memref<2x400xi32, #tpu.memory_space<smem>>
    %c0_i32 = arith.constant 0 : i32
    return %get3A_3, %get3A_10 : i32, i32
  }
  func.func @transform_6(%arg0: i32, %arg1: memref<2x400xi32, #tpu.memory_space<smem>>) -> (i32, i32) {
    %mul3A = arith.constant 16 : i32
    %mul3A_0 = arith.muli %mul3A, %arg0 : i32
    %add3A = arith.constant 6 : i32
    %add3A_1 = arith.addi %mul3A_0, %add3A : i32
    %get3A = arith.constant 0 : index
    %get3A_2 = arith.index_cast %add3A_1 : i32 to index
    %get3A_3 = memref.load %arg1[%get3A, %get3A_2] : memref<2x400xi32, #tpu.memory_space<smem>>
    %mul3A_4 = arith.constant 16 : i32
    %mul3A_5 = arith.muli %mul3A_4, %arg0 : i32
    %add3A_6 = arith.constant 6 : i32
    %add3A_7 = arith.addi %mul3A_5, %add3A_6 : i32
    %get3A_8 = arith.constant 1 : index
    %get3A_9 = arith.index_cast %add3A_7 : i32 to index
    %get3A_10 = memref.load %arg1[%get3A_8, %get3A_9] : memref<2x400xi32, #tpu.memory_space<smem>>
    %c0_i32 = arith.constant 0 : i32
    return %get3A_3, %get3A_10 : i32, i32
  }
  func.func @transform_7(%arg0: i32, %arg1: memref<2x400xi32, #tpu.memory_space<smem>>) -> (i32, i32) {
    %mul3A = arith.constant 16 : i32
    %mul3A_0 = arith.muli %mul3A, %arg0 : i32
    %add3A = arith.constant 7 : i32
    %add3A_1 = arith.addi %mul3A_0, %add3A : i32
    %get3A = arith.constant 0 : index
    %get3A_2 = arith.index_cast %add3A_1 : i32 to index
    %get3A_3 = memref.load %arg1[%get3A, %get3A_2] : memref<2x400xi32, #tpu.memory_space<smem>>
    %mul3A_4 = arith.constant 16 : i32
    %mul3A_5 = arith.muli %mul3A_4, %arg0 : i32
    %add3A_6 = arith.constant 7 : i32
    %add3A_7 = arith.addi %mul3A_5, %add3A_6 : i32
    %get3A_8 = arith.constant 1 : index
    %get3A_9 = arith.index_cast %add3A_7 : i32 to index
    %get3A_10 = memref.load %arg1[%get3A_8, %get3A_9] : memref<2x400xi32, #tpu.memory_space<smem>>
    %c0_i32 = arith.constant 0 : i32
    return %get3A_3, %get3A_10 : i32, i32
  }
  func.func @transform_8(%arg0: i32, %arg1: memref<2x400xi32, #tpu.memory_space<smem>>) -> (i32, i32) {
    %mul3A = arith.constant 16 : i32
    %mul3A_0 = arith.muli %mul3A, %arg0 : i32
    %add3A = arith.constant 8 : i32
    %add3A_1 = arith.addi %mul3A_0, %add3A : i32
    %get3A = arith.constant 0 : index
    %get3A_2 = arith.index_cast %add3A_1 : i32 to index
    %get3A_3 = memref.load %arg1[%get3A, %get3A_2] : memref<2x400xi32, #tpu.memory_space<smem>>
    %mul3A_4 = arith.constant 16 : i32
    %mul3A_5 = arith.muli %mul3A_4, %arg0 : i32
    %add3A_6 = arith.constant 8 : i32
    %add3A_7 = arith.addi %mul3A_5, %add3A_6 : i32
    %get3A_8 = arith.constant 1 : index
    %get3A_9 = arith.index_cast %add3A_7 : i32 to index
    %get3A_10 = memref.load %arg1[%get3A_8, %get3A_9] : memref<2x400xi32, #tpu.memory_space<smem>>
    %c0_i32 = arith.constant 0 : i32
    return %get3A_3, %get3A_10 : i32, i32
  }
  func.func @transform_9(%arg0: i32, %arg1: memref<2x400xi32, #tpu.memory_space<smem>>) -> (i32, i32) {
    %mul3A = arith.constant 16 : i32
    %mul3A_0 = arith.muli %mul3A, %arg0 : i32
    %add3A = arith.constant 9 : i32
    %add3A_1 = arith.addi %mul3A_0, %add3A : i32
    %get3A = arith.constant 0 : index
    %get3A_2 = arith.index_cast %add3A_1 : i32 to index
    %get3A_3 = memref.load %arg1[%get3A, %get3A_2] : memref<2x400xi32, #tpu.memory_space<smem>>
    %mul3A_4 = arith.constant 16 : i32
    %mul3A_5 = arith.muli %mul3A_4, %arg0 : i32
    %add3A_6 = arith.constant 9 : i32
    %add3A_7 = arith.addi %mul3A_5, %add3A_6 : i32
    %get3A_8 = arith.constant 1 : index
    %get3A_9 = arith.index_cast %add3A_7 : i32 to index
    %get3A_10 = memref.load %arg1[%get3A_8, %get3A_9] : memref<2x400xi32, #tpu.memory_space<smem>>
    %c0_i32 = arith.constant 0 : i32
    return %get3A_3, %get3A_10 : i32, i32
  }
  func.func @transform_10(%arg0: i32, %arg1: memref<2x400xi32, #tpu.memory_space<smem>>) -> (i32, i32) {
    %mul3A = arith.constant 16 : i32
    %mul3A_0 = arith.muli %mul3A, %arg0 : i32
    %add3A = arith.constant 10 : i32
    %add3A_1 = arith.addi %mul3A_0, %add3A : i32
    %get3A = arith.constant 0 : index
    %get3A_2 = arith.index_cast %add3A_1 : i32 to index
    %get3A_3 = memref.load %arg1[%get3A, %get3A_2] : memref<2x400xi32, #tpu.memory_space<smem>>
    %mul3A_4 = arith.constant 16 : i32
    %mul3A_5 = arith.muli %mul3A_4, %arg0 : i32
    %add3A_6 = arith.constant 10 : i32
    %add3A_7 = arith.addi %mul3A_5, %add3A_6 : i32
    %get3A_8 = arith.constant 1 : index
    %get3A_9 = arith.index_cast %add3A_7 : i32 to index
    %get3A_10 = memref.load %arg1[%get3A_8, %get3A_9] : memref<2x400xi32, #tpu.memory_space<smem>>
    %c0_i32 = arith.constant 0 : i32
    return %get3A_3, %get3A_10 : i32, i32
  }
  func.func @transform_11(%arg0: i32, %arg1: memref<2x400xi32, #tpu.memory_space<smem>>) -> (i32, i32) {
    %mul3A = arith.constant 16 : i32
    %mul3A_0 = arith.muli %mul3A, %arg0 : i32
    %add3A = arith.constant 11 : i32
    %add3A_1 = arith.addi %mul3A_0, %add3A : i32
    %get3A = arith.constant 0 : index
    %get3A_2 = arith.index_cast %add3A_1 : i32 to index
    %get3A_3 = memref.load %arg1[%get3A, %get3A_2] : memref<2x400xi32, #tpu.memory_space<smem>>
    %mul3A_4 = arith.constant 16 : i32
    %mul3A_5 = arith.muli %mul3A_4, %arg0 : i32
    %add3A_6 = arith.constant 11 : i32
    %add3A_7 = arith.addi %mul3A_5, %add3A_6 : i32
    %get3A_8 = arith.constant 1 : index
    %get3A_9 = arith.index_cast %add3A_7 : i32 to index
    %get3A_10 = memref.load %arg1[%get3A_8, %get3A_9] : memref<2x400xi32, #tpu.memory_space<smem>>
    %c0_i32 = arith.constant 0 : i32
    return %get3A_3, %get3A_10 : i32, i32
  }
  func.func @transform_12(%arg0: i32, %arg1: memref<2x400xi32, #tpu.memory_space<smem>>) -> (i32, i32) {
    %mul3A = arith.constant 16 : i32
    %mul3A_0 = arith.muli %mul3A, %arg0 : i32
    %add3A = arith.constant 12 : i32
    %add3A_1 = arith.addi %mul3A_0, %add3A : i32
    %get3A = arith.constant 0 : index
    %get3A_2 = arith.index_cast %add3A_1 : i32 to index
    %get3A_3 = memref.load %arg1[%get3A, %get3A_2] : memref<2x400xi32, #tpu.memory_space<smem>>
    %mul3A_4 = arith.constant 16 : i32
    %mul3A_5 = arith.muli %mul3A_4, %arg0 : i32
    %add3A_6 = arith.constant 12 : i32
    %add3A_7 = arith.addi %mul3A_5, %add3A_6 : i32
    %get3A_8 = arith.constant 1 : index
    %get3A_9 = arith.index_cast %add3A_7 : i32 to index
    %get3A_10 = memref.load %arg1[%get3A_8, %get3A_9] : memref<2x400xi32, #tpu.memory_space<smem>>
    %c0_i32 = arith.constant 0 : i32
    return %get3A_3, %get3A_10 : i32, i32
  }
  func.func @transform_13(%arg0: i32, %arg1: memref<2x400xi32, #tpu.memory_space<smem>>) -> (i32, i32) {
    %mul3A = arith.constant 16 : i32
    %mul3A_0 = arith.muli %mul3A, %arg0 : i32
    %add3A = arith.constant 13 : i32
    %add3A_1 = arith.addi %mul3A_0, %add3A : i32
    %get3A = arith.constant 0 : index
    %get3A_2 = arith.index_cast %add3A_1 : i32 to index
    %get3A_3 = memref.load %arg1[%get3A, %get3A_2] : memref<2x400xi32, #tpu.memory_space<smem>>
    %mul3A_4 = arith.constant 16 : i32
    %mul3A_5 = arith.muli %mul3A_4, %arg0 : i32
    %add3A_6 = arith.constant 13 : i32
    %add3A_7 = arith.addi %mul3A_5, %add3A_6 : i32
    %get3A_8 = arith.constant 1 : index
    %get3A_9 = arith.index_cast %add3A_7 : i32 to index
    %get3A_10 = memref.load %arg1[%get3A_8, %get3A_9] : memref<2x400xi32, #tpu.memory_space<smem>>
    %c0_i32 = arith.constant 0 : i32
    return %get3A_3, %get3A_10 : i32, i32
  }
  func.func @transform_14(%arg0: i32, %arg1: memref<2x400xi32, #tpu.memory_space<smem>>) -> (i32, i32) {
    %mul3A = arith.constant 16 : i32
    %mul3A_0 = arith.muli %mul3A, %arg0 : i32
    %add3A = arith.constant 14 : i32
    %add3A_1 = arith.addi %mul3A_0, %add3A : i32
    %get3A = arith.constant 0 : index
    %get3A_2 = arith.index_cast %add3A_1 : i32 to index
    %get3A_3 = memref.load %arg1[%get3A, %get3A_2] : memref<2x400xi32, #tpu.memory_space<smem>>
    %mul3A_4 = arith.constant 16 : i32
    %mul3A_5 = arith.muli %mul3A_4, %arg0 : i32
    %add3A_6 = arith.constant 14 : i32
    %add3A_7 = arith.addi %mul3A_5, %add3A_6 : i32
    %get3A_8 = arith.constant 1 : index
    %get3A_9 = arith.index_cast %add3A_7 : i32 to index
    %get3A_10 = memref.load %arg1[%get3A_8, %get3A_9] : memref<2x400xi32, #tpu.memory_space<smem>>
    %c0_i32 = arith.constant 0 : i32
    return %get3A_3, %get3A_10 : i32, i32
  }
  func.func @transform_15(%arg0: i32, %arg1: memref<2x400xi32, #tpu.memory_space<smem>>) -> (i32, i32) {
    %mul3A = arith.constant 16 : i32
    %mul3A_0 = arith.muli %mul3A, %arg0 : i32
    %add3A = arith.constant 15 : i32
    %add3A_1 = arith.addi %mul3A_0, %add3A : i32
    %get3A = arith.constant 0 : index
    %get3A_2 = arith.index_cast %add3A_1 : i32 to index
    %get3A_3 = memref.load %arg1[%get3A, %get3A_2] : memref<2x400xi32, #tpu.memory_space<smem>>
    %mul3A_4 = arith.constant 16 : i32
    %mul3A_5 = arith.muli %mul3A_4, %arg0 : i32
    %add3A_6 = arith.constant 15 : i32
    %add3A_7 = arith.addi %mul3A_5, %add3A_6 : i32
    %get3A_8 = arith.constant 1 : index
    %get3A_9 = arith.index_cast %add3A_7 : i32 to index
    %get3A_10 = memref.load %arg1[%get3A_8, %get3A_9] : memref<2x400xi32, #tpu.memory_space<smem>>
    %c0_i32 = arith.constant 0 : i32
    return %get3A_3, %get3A_10 : i32, i32
  }
  func.func @transform_16(%arg0: i32, %arg1: memref<2x400xi32, #tpu.memory_space<smem>>) -> (i32, i32) {
    %c0_i32 = arith.constant 0 : i32
    %c0_i32_0 = arith.constant 0 : i32
    %c0_i32_1 = arith.constant 0 : i32
    return %c0_i32, %c0_i32_0 : i32, i32
  }
  func.func @transform_17(%arg0: i32, %arg1: memref<2x400xi32, #tpu.memory_space<smem>>) -> (i32, i32) {
    %c0_i32 = arith.constant 0 : i32
    %c0_i32_0 = arith.constant 0 : i32
    %c0_i32_1 = arith.constant 0 : i32
    return %c0_i32, %c0_i32_0 : i32, i32
  }
  func.func @transform_18(%arg0: i32, %arg1: memref<2x400xi32, #tpu.memory_space<smem>>) -> (i32, i32, i32) {
    %c0_i32 = arith.constant 0 : i32
    %c0_i32_0 = arith.constant 0 : i32
    %c0_i32_1 = arith.constant 0 : i32
    return %arg0, %c0_i32, %c0_i32_0 : i32, i32, i32
  }
}

module attributes {stable_mosaic.version = 14 : i64} {
  func.func @_band_body(%arg0: i32, %arg1: memref<65xi32, #tpu.memory_space<smem>>, %arg2: memref<400xi32, #tpu.memory_space<smem>>, %arg3: memref<16x32768xf32, #tpu.memory_space<vmem>>, %arg4: memref<400x16x512xf32, #tpu.memory_space<vmem>>, %arg5: memref<16x32768xf32, #tpu.memory_space<vmem>>) attributes {dimension_semantics = [#tpu.dimension_semantics<arbitrary>], iteration_bounds = array<i64: 64>, scalar_prefetch = 2 : i64, scratch_operands = 0 : i64, tpu.core_type = #tpu.core_type<tc>, window_params = [{transform_indices = @transform_0, window_bounds = array<i64: 16, 32768>}, {pipeline_mode = #tpu.pipeline_mode<synchronous>, transform_indices = @transform_1, window_bounds = array<i64: 400, 16, 512>}, {transform_indices = @transform_2, window_bounds = array<i64: 16, 32768>}]} {
    %get3A = arith.constant 0 : index
    %get3A_0 = arith.constant 0 : index
    %get3A_1 = vector.load %arg3[%get3A, %get3A_0] : memref<16x32768xf32, #tpu.memory_space<vmem>>, vector<16x32768xf32>
    %swap3A = arith.constant 0 : index
    %swap3A_2 = arith.constant 0 : index
    %swap3A_3 = vector.load %arg5[%swap3A, %swap3A_2] : memref<16x32768xf32, #tpu.memory_space<vmem>>, vector<16x32768xf32>
    tpu.vector_store %arg5[%swap3A, %swap3A_2], %get3A_1 {strides = array<i32>} : memref<16x32768xf32, #tpu.memory_space<vmem>>, vector<16x32768xf32>,
    %get3A_4 = arith.index_cast %arg0 : i32 to index
    %get3A_5 = memref.load %arg1[%get3A_4] : memref<65xi32, #tpu.memory_space<smem>>
    %add3A = arith.constant 1 : i32
    %add3A_6 = arith.addi %arg0, %add3A : i32
    %get3A_7 = arith.index_cast %add3A_6 : i32 to index
    %get3A_8 = memref.load %arg1[%get3A_7] : memref<65xi32, #tpu.memory_space<smem>>
    %while3A = arith.constant 0 : i32
    %while3A_9 = arith.subi %get3A_8, %get3A_5 : i32
    %while3A_10 = arith.addi %get3A_5, %while3A_9 : i32
    %while3A_11 = arith.constant 1 : i32
    %while3A_12 = arith.divsi %while3A_9, %while3A_11 : i32
    %while3A_13 = arith.muli %while3A_12, %while3A_11 : i32
    %while3A_14 = arith.addi %get3A_5, %while3A_13 : i32
    %while3A_15 = arith.constant 1 : i32
    scf.for %while3A_17 = %get3A_5 to %while3A_14 step %while3A_15  : i32 {
      %get3A_18 = arith.index_cast %while3A_17 : i32 to index
      %get3A_19 = memref.load %arg2[%get3A_18] : memref<400xi32, #tpu.memory_space<smem>>
      %mul3A = arith.constant 512 : i32
      %mul3A_20 = arith.muli %get3A_19, %mul3A : i32
      %multiple_of3A = tpu.assume_multiple %mul3A_20, 512 : i32
      %get3A_21 = arith.index_cast %while3A_17 : i32 to index
      %get3A_22 = arith.constant 0 : index
      %get3A_23 = arith.constant 0 : index
      %get3A_24 = vector.load %arg4[%get3A_21, %get3A_22, %get3A_23] : memref<400x16x512xf32, #tpu.memory_space<vmem>>, vector<1x16x512xf32>
      %get3A_25 = vector.shape_cast %get3A_24 : vector<1x16x512xf32> to vector<16x512xf32>
      %swap3A_26 = arith.constant 0 : index
      %swap3A_27 = arith.index_cast %multiple_of3A : i32 to index
      %swap3A_28 = vector.load %arg5[%swap3A_26, %swap3A_27] : memref<16x32768xf32, #tpu.memory_space<vmem>>, vector<16x512xf32>
      tpu.vector_store %arg5[%swap3A_26, %swap3A_27], %get3A_25 {strides = array<i32>} : memref<16x32768xf32, #tpu.memory_space<vmem>>, vector<16x512xf32>,
    }
    %while3A_16 = arith.constant 1 : i32
    scf.for %while3A_17 = %while3A_14 to %while3A_10 step %while3A_16  : i32 {
      %get3A_18 = arith.index_cast %while3A_17 : i32 to index
      %get3A_19 = memref.load %arg2[%get3A_18] : memref<400xi32, #tpu.memory_space<smem>>
      %mul3A = arith.constant 512 : i32
      %mul3A_20 = arith.muli %get3A_19, %mul3A : i32
      %multiple_of3A = tpu.assume_multiple %mul3A_20, 512 : i32
      %get3A_21 = arith.index_cast %while3A_17 : i32 to index
      %get3A_22 = arith.constant 0 : index
      %get3A_23 = arith.constant 0 : index
      %get3A_24 = vector.load %arg4[%get3A_21, %get3A_22, %get3A_23] : memref<400x16x512xf32, #tpu.memory_space<vmem>>, vector<1x16x512xf32>
      %get3A_25 = vector.shape_cast %get3A_24 : vector<1x16x512xf32> to vector<16x512xf32>
      %swap3A_26 = arith.constant 0 : index
      %swap3A_27 = arith.index_cast %multiple_of3A : i32 to index
      %swap3A_28 = vector.load %arg5[%swap3A_26, %swap3A_27] : memref<16x32768xf32, #tpu.memory_space<vmem>>, vector<16x512xf32>
      tpu.vector_store %arg5[%swap3A_26, %swap3A_27], %get3A_25 {strides = array<i32>} : memref<16x32768xf32, #tpu.memory_space<vmem>>, vector<16x512xf32>,
    }
    return
  }
  func.func @transform_0(%arg0: i32, %arg1: memref<65xi32, #tpu.memory_space<smem>>, %arg2: memref<400xi32, #tpu.memory_space<smem>>) -> (i32, i32) {
    %c0_i32 = arith.constant 0 : i32
    %c0_i32_0 = arith.constant 0 : i32
    return %arg0, %c0_i32 : i32, i32
  }
  func.func @transform_1(%arg0: i32, %arg1: memref<65xi32, #tpu.memory_space<smem>>, %arg2: memref<400xi32, #tpu.memory_space<smem>>) -> (i32, i32, i32) {
    %c0_i32 = arith.constant 0 : i32
    %c0_i32_0 = arith.constant 0 : i32
    %c0_i32_1 = arith.constant 0 : i32
    %c0_i32_2 = arith.constant 0 : i32
    return %c0_i32, %c0_i32_0, %c0_i32_1 : i32, i32, i32
  }
  func.func @transform_2(%arg0: i32, %arg1: memref<65xi32, #tpu.memory_space<smem>>, %arg2: memref<400xi32, #tpu.memory_space<smem>>) -> (i32, i32) {
    %c0_i32 = arith.constant 0 : i32
    %c0_i32_0 = arith.constant 0 : i32
    return %arg0, %c0_i32 : i32, i32
  }
}

</mosaic_0001>

<sc_bundles>
// kernel: sparse-core-data-format-call.cloned.1.call-start
scs
called_computation_lowered:
.L_overlay_start_0:
0x0: {  	s2 =	sld [smem:$0x3FD9]  }
0x1: {  	s3 =	sld [smem:$0x3FFE];
	_ =	sdelay $0x1  }
0x2: {  	s1 =	srdreg.scid  }
0x3: {  	s0 =	sand.u32 $0x1, s1  }
0x4: {  	s18 =	sshll.u32 s0, $0xA;
	s2 =	sadd.s32 s3, s2  }
0x5: {  	s2 =	sadd.s32 s2, s18  }
0x6: {  	[smem:$0x3FC0] =	sst s2  }
0x7: {  	_ = 	snop  }
0x8: {  	s2 =	sld [smem:$0x3FD0];
	(tm) =	ssettm $0x1  }
0x9: {  	s19 =	sld [smem:$0x3FFB];
	_ =	sdelay $0x3  }
0xa: {  	_ =	strace s19  }
0xb: {  	s3 =	sld [smem:$0x3FFC];
	_ =	sdelay $0x3  }
0xc: {  	_ =	strace s3  }
0xd: {  	s3 =	sld [smem:$0x3FFD];
	_ =	sdelay $0x3  }
0xe: {  	_ =	strace s3  }
0xf: {  	_ =	strace $0x8FFFFFFF  }
0x10: {  	s20 =	sld [smem:$0x3FDB];
	_ =	sdelay $0x1  }
0x11: {  	s4 =	simm.s32 $_scs_section_size  }
0x12: {  	s5 =	simm.s32 $_size__tile_overlayer_lowered;
	s6 =	simm.s32 $_tile_overlayer_lowered  }
0x13: {  	s23 =	simm.s32 $0x1BFF;
	s22 =	sshll.u32 s6, $0x1;
	s3 =	sadd.s32 s4, s20  }
0x14: {  	s7 =	simm.s32 $0x0;
	s21 =	sshll.u32 s5, $0x1;
	s5 =	sadd.s32 s22, s3  }
0x15: {  	[timem:s7], [sflag:s23] =	dma.local [hbm:s5], s21  }
0x16: {  	_ =	swait.ge [sflag:s23], s21  }
0x17: {  	s4 =	ssub.s32 $0x0, s21;
	[sflag:s23] =	ssyncset.done $0x0  }
0x18: {  	[sflag:s23] =	ssyncadd.s32 s4;
	_ =	sdelay $0x1  }
0x19: {  	s24 =	simm.s32 $0x1B8B  }
0x1a: {  	_ =	swait.ge [sflag:s24], $0x1  }
0x1b: {  	[sflag:s24] =	ssyncset.done $0x0  }
0x1c: {  	s26 =	simm.s32 $0x1B8E;
	s25 =	sld [smem:$0x3FFE];
	[sflag:s24] =	ssyncadd.s32 $0xFFFFFFFF  }
0x1d: {  	s27 =	simm.s32 $execute0_lowered;
	[smem:$0x3FD2] =	sst s26  }
0x1e: {  	s5 =	sshll.u32 s27, $0x1;
	_ =	strace $0x80000046;
	[dreg:$0x1] =	wrdreg $0xFFFFFFFF  }
0x1f: {  	s28 =	simm.s32 $_size_execute0_lowered;
	s3 =	sadd.s32 s3, s5;
	[dreg:$0x0] =	wrdreg $0x0  }
0x20: {  	s5 =	sshll.u32 s28, $0x1;
	[dreg:$0x2] =	wrdreg s3  }
0x21: {  	[dreg:$0x3] =	wrdreg s5  }
0x22: {  	[dreg:$0x4] =	wrdreg $0xC0  }
0x23: {  	_ =	task [dreg:s7], $0x5FFFF  }
0x24: {  	[dreg:$0x1] =	wrdreg $0xFFFFFFFF  }
0x25: {  	[dreg:$0x0] =	wrdreg $0x60  }
0x26: {  	[dreg:$0x2] =	wrdreg s25  }
0x27: {  	[dreg:$0x3] =	wrdreg s2  }
0x28: {  	[dreg:$0x4] =	wrdreg $0x9  }
0x29: {  	_ =	task.clear_ibuf [dreg:s7], $0x5FFFF;
	_ =	strace $0x90000046  }
0x2a: {  	s29 =	simm.s32 $0x9;
	_ =	strace $0x80000048  }
0x2b: {  	_ =	swait.ge [sflag:s29], $0x1  }
0x2c: {  	[sflag:s29] =	ssyncadd.s32 $0xFFFFFFFF  }
0x2d: {  	_ =	strace $0x90000048  }
0x2e: {  	_ =	sfence  }
0x2f: {  	s30 =	sld [smem:$0x0];
	_ =	sdelay $0x2  }
0x30: {  	s31 =	sshll.u32 s1, $0xD;
	s1 =	sshrl.u32 s1, $0x2  }
0x31: {  	s3 =	sand.u32 $0x4000, s31;
	s1 =	sadd.s32 s1, s30  }
0x32: {  	s0 =	sor.u32 s3, s0;
	s1 =	sshll.u32 s1, $0x11  }
0x33: {  	s0 =	sor.u32 s1, s0  }
0x34: {  	s0 =	sadd.s32 $0x8F2B, s0  }
0x35: {  	[sflag:s0] =	ssyncadd.remote.s32 $0x1  }
0x36: {  	_ =	sfence.sel $0xFFFF  }
0x37: {  	[dreg:$0x0] =	wrdreg $0xFFFFFFFF;
	(pc) =	sbr.abs _section_cstart, $3  }
0x38: {  	[dreg:$0x1] =	wrdreg $0xFFFFFFFF  }
0x39: {  	_ =	task.clear_ibuf [dreg:s7], $0x2FFFF;
	_ =	strace $0x9FFFFFFF  }
0x3a: {  	(tm) =	ssettm $0x7FFFFFFF  }
0x3b: {  	_ =	shalt  }
tec
execute0_lowered:
.L_overlay_start_1:
0x0: {  	(tag) =	ssettag $0x1  }
0x1: {  	s4 =	rddreg [dreg:$0x0]  }
0x2: {  	s0 =	stileid.u32;
	s2 =	rddreg [dreg:$0x1]  }
0x3: {  	s1 =	rddreg [dreg:$0x2];
	_ =	strace $0x80000047;
	s5 =	srdreg.scid  }
0x4: {  	s31 =	simm.s32 $0x2;
	s14 =	simm.s32 $0x0;
	s9 =	simm.s32 $0x8000  }
0x5: {  	s16 =	simm.s32 $0x0;
	s15 =	simm.s32 $0x0;
	s3 =	sshll.u32 s0, $0x7  }
0x6: {  	s10 =	simm.s32 $0x0;
	s5 =	sshll.u32 s5, $0x4;
	s3 =	sand.u32 $0x380, s3  }
0x7: {  	s13 =	simm.s32 $0x0;
	s5 =	sand.u32 $0x10, s5;
	s6 =	ssub.s32 $0x400, s3  }
0x8: {  	s4 =	sadd.s32 $0x2200, s4;
	s5 =	sor.u32 s0, s5;
	s7 =	sand.u32 $0x380, s6  }
.Ltmp0:
0x9: {  	p0 =	sne.s32 s7, $0x0;
	s7 =	simm.s32 $0x1;
	(pc) =	sbr.rel .LBB1_1-.Ltmp0, $4  }
0xa: {  	s12 =	smov.u32 s3;
	s8 =	sshrl.u32 s6, $0xA;
	s7 =	simm.s32 @!p0 $0x0  }
0xb: {  	s5 =	sshrl.u32 s5, $0x3;
	s6 =	simm.s32 $0x1;
	s7 =	sadd.s32 s7, s8  }
0xc: {  	[sflag:s6] =	ssyncpa.u1 $0x0;
	s11 =	smov.u32 s5;
	s7 =	sshll.u32 s7, $0x6  }
0xd: {  	[sflag:s31] =	ssyncpa.u1 $0x0;
	p0 =	por $0x0, $0x0;
	s8 =	sor.u32 $0x1, s7  }
.LBB1_4:
0xe: {  	v5 =	vld [tilespmem:s20+$0xFFFFFFD0];
	[tilespmem:s19+$0x2040 ss:$0x81] =	vst.msk $0xffff, v1  }
0xf: {  	v58 =	vld [tilespmem:s20+$0xFFFFFFE0];
	[tilespmem:s19+$0x2850 ss:$0x81] =	vst.msk $0xffff, v2  }
0x10: {  	s21 =	sshra.s32 s21, $0x2;
	v59 =	vld [tilespmem:s20+$0xFFFFFFF0];
	[tilespmem:s19+$0x3060 ss:$0x81] =	vst.msk $0xffff, v3  }
0x11: {  	v60 =	vld [tilespmem:s20+$0x0];
	[tilespmem:s19+$0x0 ss:$0x81] =	vst.msk $0xffff, v0;
	s18 =	sadd.s32 s21, s18  }
0x12: {  	v61 =	vld [tilespmem:s20+$0x10];
	[tilespmem:s18+$0x3870 ss:$0x81] =	vst.msk $0xffff, v4  }
0x13: {  	v62 =	vld [tilespmem:s20+$0x20];
	s26 =	sshll.u32 s16, $0xA;
	s27 =	sshll.u32 s15, $0x3;
	[tilespmem:s18+$0x810 ss:$0x81] =	vst.msk $0xffff, v5  }
0x14: {  	v63 =	vld [tilespmem:s20+$0xFFFFFFC0];
	s29 =	sshll.u32 s16, $0x7;
	s30 =	sand.u32 $0x78, s15;
	s14 =	sshll.u32 s14, $0xC;
	[tilespmem:s18+$0x1020 ss:$0x81] =	vst.msk $0xffff, v58  }
0x15: {  	s19 =	sand.u32 $0x6000, s26;
	s28 =	sand.u32 $0x7C00, s27;
	s16 =	sand.u32 $0x380, s29;
	[tilespmem:s18+$0x1830 ss:$0x81] =	vst.msk $0xffff, v59  }
0x16: {  	s31 =	sand.u32 $0x7, s15;
	s19 =	sadd.s32 s28, s19;
	s16 =	sor.u32 s30, s16;
	[tilespmem:s18+$0x2040 ss:$0x81] =	vst.msk $0xffff, v60  }
0x17: {  	s14 =	sadd.s32 s2, s14;
	s19 =	sshrl.u32 s19, $0x3;
	s16 =	sshrl.u32 s16, $0x3;
	[tilespmem:s18+$0x2850 ss:$0x81] =	vst.msk $0xffff, v61  }
0x18: {  	s15 =	sshll.u32 s31, $0x12;
	s19 =	sand.u32 $0xF80, s19;
	s14 =	sadd.s32 s16, s14;
	[tilespmem:s18+$0x3060 ss:$0x81] =	vst.msk $0xffff, v62  }
0x19: {  	s15 =	sor.u32 $0x80, s15;
	[tilespmem:s18+$0x0 ss:$0x81] =	vst.msk $0xffff, v63;
	s14 =	sadd.s32 s19, s14  }
0x1a: {  	[hbm4b:s14+s15] =	stream.strided.scatter [tilespmem:s17], [sflag:$0x2], $0x4000, s9, s15, $0x20;
	[tilespmem:$0x10100] =	vst v63  }
.LBB1_5:
0x1b: {  	s17 =	sadd.s32 $0x80, s10  }
0x1c: {  	s14 =	sadd.s32 $0x4, s11;
	s18 =	smov.u32 s11;
	p2 =	sgt.s32 s17, $0x3FF  }
0x1d: {  	s18 =	smov.u32 @p2 s14  }
0x1e: {  	s20 =	smov.u32 s12;
	s14 =	sadd.s32 $0x400, s12;
	p3 =	sgt.s32 s18, $0x1F  }
0x1f: {  	s20 =	smov.u32 @p3 s14  }
0x20: {  	s17 =	simm.s32 @p2 $0x0;
	p2 =	sgt.s32 s20, $0x3FF  }
0x21: {  	p1 =	slt.u32 s13, $0x2;
	s20 =	smov.u32 @p2 s3;
	p2 =	sne.s32 s13, s8  }
.Ltmp1:
0x22: {  	s19 =	simm.s32 @!p1 $0x2;
	(pc) =	sbr.rel @!p2 .LBB1_6-.Ltmp1, $4  }
0x23: {  	s16 =	smov.u32 s11;
	s15 =	smov.u32 s12;
	_ =	swait.ge @!p1 [sflag:s19], $0x4000  }
0x24: {  	p0 =	por !p0, !p0;
	[sflag:s19] =	ssyncset.done @!p1 $0x0;
	s18 =	smov.u32 @p3 s5  }
0x25: {  	s14 =	smov.u32 s10;
	[sflag:s19] =	ssyncadd.s32 @!p1 $0xFFFFC000;
	s10 =	smov.u32 s17  }
0x26: {  	s11 =	smov.u32 s18;
	s13 =	sadd.s32 $0x1, s13;
	s12 =	smov.u32 s20  }
.LBB1_1:
0x27: {  	p1 =	sge.u32 s13, s7  }
0x28: {  	s31 =	sadd.s32 $0xFFFFFFFF, s13;
	s17 =	sshll.u32 @!p1 s11, $0x7  }
0x29: {  	s18 =	sxor.u32 @!p1 $0xFFFFFFFF, s13;
	s19 =	sand.u32 @!p1 $0x78, s10;
	s20 =	sand.u32 @!p1 $0x380, s17  }
0x2a: {  	s18 =	sshll.u32 @!p1 s18, $0xE;
	s19 =	sor.u32 @!p1 s19, s20;
	s20 =	sshll.u32 @!p1 s12, $0xC  }
0x2b: {  	s17 =	sand.u32 @!p1 $0xC00, s17;
	s19 =	sshrl.u32 @!p1 s19, $0x3;
	s20 =	sadd.s32 @!p1 s4, s20  }
0x2c: {  	s17 =	sadd.s32 @!p1 s10, s17;
	s19 =	sadd.s32 @!p1 s19, s20;
	s20 =	sand.u32 @!p1 $0x7, s10  }
0x2d: {  	s18 =	sand.u32 @!p1 $0x4000, s18;
	s17 =	sand.u32 @!p1 $0xF80, s17;
	s20 =	sshll.u32 @!p1 s20, $0x12  }
0x2e: {  	s17 =	sadd.s32 @!p1 s17, s19;
	s19 =	sor.u32 @!p1 $0x80, s20;
	s20 =	simm.s32 @!p1 $0x8000  }
0x2f: {  	[tilespmem:s18], [sflag:$0x1] =	stream.strided.gather @!p1 [hbm4b:s17+s19], $0x4000, s20, s19, $0x38;
	[tilespmem:$0x10100] =	vst v63  }
0x30: {  	p1 =	sge.u32 s31, s7  }
.Ltmp2:
0x31: {  	_ = 	snop;
	(pc) =	sbr.rel @p1 .LBB1_5-.Ltmp2, $1  }
0x32: {  	_ =	sdelay $0x3  }
0x33: {  	s17 =	simm.s32 $0x1  }
0x34: {  	_ =	swait.ge [sflag:s6], $0x4000;
	s17 =	simm.s32 @!p0 $0x0  }
0x35: {  	[sflag:s6] =	ssyncset.done $0x0;
	s18 =	sshll.u32 s17, $0xE  }
0x36: {  	[sflag:s6] =	ssyncadd.s32 $0xFFFFC000;
	s20 =	sor.u32 $0x40, s18  }
0x37: {  	s17 =	smul.u32 $0x10200, s17;
	v0 =	vld [tilespmem:s20+$0x30]  }
0x38: {  	v3 =	vld [tilespmem:s20+$0xFFFFFFD0]  }
0x39: {  	s17 =	sshrl.u32 s17, $0x2;
	v4 =	vld [tilespmem:s20+$0xFFFFFFE0]  }
0x3a: {  	v5 =	vld [tilespmem:s20+$0xFFFFFFF0];
	s18 =	sor.u32 $0x8000, s17  }
0x3b: {  	s31 =	sand.u32 $0x1, s13;
	v1 =	vld [tilespmem:s20+$0x0];
	s19 =	sadd.s32 $0x0, s18  }
0x3c: {  	v2 =	vld [tilespmem:s20+$0x10];
	s17 =	smul.u32 $0x10200, s31;
	[tilespmem:s19+$0x3870 ss:$0x81] =	vst.msk $0xffff, v0  }
0x3d: {  	[tilespmem:s19+$0x810 ss:$0x81] =	vst.msk $0xffff, v3;
	v3 =	vld [tilespmem:s20+$0x20]  }
0x3e: {  	s17 =	sshrl.u32 s17, $0x2;
	v0 =	vld [tilespmem:s20+$0xFFFFFFC0];
	[tilespmem:s19+$0x1020 ss:$0x81] =	vst.msk $0xffff, v4;
	s20 =	sadd.s32 $0x80, s20  }
0x3f: {  	s21 =	simm.s32 $0x4;
	s22 =	simm.s32 $0x8;
	s17 =	sor.u32 $0x8000, s17;
	[tilespmem:s19+$0x1830 ss:$0x81] =	vst.msk $0xffff, v5;
	v4 =	vld [tilespmem:s20+$0x30]  }
.LBB1_3:
0x40: {  	p1 =	sne.s32 s22, $0x1FC;
	v5 =	vld [tilespmem:s20+$0xFFFFFFD0];
	[tilespmem:s19+$0x2040 ss:$0x81] =	vst.msk $0xffff, v1  }
0x41: {  	v6 =	vld [tilespmem:s20+$0xFFFFFFE0];
	[tilespmem:s19+$0x2850 ss:$0x81] =	vst.msk $0xffff, v2  }
0x42: {  	s23 =	sshra.s32 s21, $0x2;
	s21 =	smov.u32 s22;
	v7 =	vld [tilespmem:s20+$0xFFFFFFF0];
	[tilespmem:s19+$0x3060 ss:$0x81] =	vst.msk $0xffff, v3  }
.Ltmp3:
0x43: {  	v1 =	vld [tilespmem:s20+$0x0];
	[tilespmem:s19+$0x0 ss:$0x81] =	vst.msk $0xffff, v0;
	s19 =	sadd.s32 s23, s18;
	(pc) =	sbr.rel @p1 .LBB1_3-.Ltmp3, $4  }
0x44: {  	v2 =	vld [tilespmem:s20+$0x10];
	[tilespmem:s19+$0x3870 ss:$0x81] =	vst.msk $0xffff, v4  }
0x45: {  	[tilespmem:s19+$0x810 ss:$0x81] =	vst.msk $0xffff, v5;
	v3 =	vld [tilespmem:s20+$0x20]  }
0x46: {  	v0 =	vld [tilespmem:s20+$0xFFFFFFC0];
	[tilespmem:s19+$0x1020 ss:$0x81] =	vst.msk $0xffff, v6;
	s20 =	sadd.s32 $0x80, s20  }
0x47: {  	s22 =	sadd.s32 $0x4, s22;
	v4 =	vld [tilespmem:s20+$0x30];
	[tilespmem:s19+$0x1830 ss:$0x81] =	vst.msk $0xffff, v7  }
.Ltmp4:
0x48: {  	_ = 	snop;
	(pc) =	sbr.rel .LBB1_4-.Ltmp4, $1  }
0x49: {  	_ =	sdelay $0x3  }
.LBB1_6:
0x4a: {  	_ =	sfence.sel $0x180000  }
0x4b: {  	s2 =	simm.s32 $0x1;
	[bflag:$0x0] =	sbarrier.arrive $0xFFFF  }
0x4c: {  	s31 =	simm.s32 $0x2;
	[sflag:s2] =	ssyncpa.u1 $0x1  }
0x4d: {  	[sflag:s31] =	ssyncpa.u1 $0x1  }
0x4e: {  	p0 =	sne.s32 s0, $0x0;
	_ =	strace $0x90000047  }
0x4f: {  	s0 =	sadd.s32 @!p0 $0x100000, s1;
	[bflag:$0x2] =	sbarrier.arrive $0xFFFF  }
0x50: {  	[sflag:s0] =	ssyncadd.tile.s32 @!p0 $0x1;
	_ =	shalt  }
.Lfunc_end1:
_tile_overlayer_lowered:
.L_overlay_start_2:
0x51: {  	(tag) =	ssettag $0x2  }
0x52: {  	s0 =	rddreg [dreg:$0x0];
	s2 =	stileid.u32  }
0x53: {  	s1 =	rddreg [dreg:$0x1];
	p0 =	sne.s32 s2, $0x0  }
0x54: {  	s3 =	rddreg [dreg:$0x2];
	[bflag:$0x3] =	sbarrier.arrive $0xFFFF;
	s2 =	simm.s32 @!p0 $0x1C01  }
0x55: {  	[timem:s3], [sflag:s2] =	dma.local @!p0 [hbm:s0], s1  }
0x56: {  	s0 =	simm.s32 @!p0 $0x1  }
0x57: {  	_ =	swait.ge @!p0 [sflag:s0], s1  }
0x58: {  	s1 =	ssub.s32 @!p0 $0x0, s1;
	[sflag:s0] =	ssyncset.done @!p0 $0x0  }
0x59: {  	[sflag:s0] =	ssyncadd.s32 @!p0 s1  }
0x5a: {  	[bflag:$0x3] =	sbarrier.arrive $0xFFFF  }
0x5b: {  	_ =	shalt  }

</sc_bundles>
